<compile_context>
chip_gen: v7x
topology: tpu7x:2x2x1
jax: 0.10.2.dev20260603
libtpu: 0.0.44.dev20260713+nightly
codegen_flags: <defaults>
</compile_context>

<pallas_src>
import functools

import jax
import jax.numpy as jnp
from jax import lax
from jax.experimental import pallas as pl
from jax.experimental.pallas import tpu as pltpu
from jax.experimental.pallas import tpu_sc as plsc

B = 1024
S = 200
N_POS = 53
N_NER = 25
POS_DIM = 30
NER_DIM = 30

_RBLK = 8
_SBLK = 8


def _mask_body(masks_ref, head_ref, adj_ref):
    i = pl.program_id(0)
    l = jnp.sum((masks_ref[...] == 0.0).astype(jnp.int32), axis=0, keepdims=True)
    head2 = head_ref[...]
    cvec2 = jax.lax.broadcasted_iota(jnp.int32, (S, 1), 0)
    col_valid2 = cvec2 < l
    head_eff = jnp.where((head2 > 0) & col_valid2, head2, 0)
    rvec = jax.lax.broadcasted_iota(jnp.int32, (_RBLK, 1, 1), 0) + i * _RBLK
    eq = head_eff[None, :, :] == rvec + 1
    adj_ref[...] = eq.astype(jnp.float32)


_DP = 32
_NW = 32
_TOK = B * S
_PER_W = _TOK // _NW
_CH = 3200


def _sc_emb_body(pt_hbm, nt_hbm, pidx_hbm, nidx_hbm, pout_hbm, nout_hbm,
                 idx_v, rows_v, sem):
    wid = lax.axis_index("s") * 2 + lax.axis_index("c")
    for tab_hbm, idx_hbm, out_hbm in ((pt_hbm, pidx_hbm, pout_hbm),
                                      (nt_hbm, nidx_hbm, nout_hbm)):
        for ch in range(_PER_W // _CH):
            base = wid * _PER_W + ch * _CH
            pltpu.sync_copy(idx_hbm.at[pl.ds(base, _CH)], idx_v)
            pltpu.async_copy(tab_hbm.at[idx_v], rows_v, sem).wait()
            pltpu.sync_copy(rows_v, out_hbm.at[pl.ds(base, _CH)])


def kernel(words, masks, pos, ner, deprel, head, subj_pos, obj_pos, subj_type, obj_type,
           pos_table, ner_table):
    del words, deprel, subj_pos, obj_pos, subj_type, obj_type
    masks_t = masks.T
    head_t = head.T
    pos_t = pos.T
    ner_t = ner.T

    adj_t = pl.pallas_call(
        _mask_body,
        grid=(S // _RBLK,),
        in_specs=[
            pl.BlockSpec((S, B), lambda i: (0, 0)),
            pl.BlockSpec((S, B), lambda i: (0, 0)),
        ],
        out_specs=pl.BlockSpec((_RBLK, S, B), lambda i: (i, 0, 0)),
        out_shape=jax.ShapeDtypeStruct((S, S, B), jnp.float32),
    )(masks_t, head_t)

    adj = jnp.transpose(adj_t, (2, 0, 1))

    mesh = plsc.VectorSubcoreMesh(core_axis_name="c", subcore_axis_name="s")
    sc_emb = pl.kernel(
        _sc_emb_body,
        [
            jax.ShapeDtypeStruct((_TOK, _DP), jnp.float32),
            jax.ShapeDtypeStruct((_TOK, _DP), jnp.float32),
        ],
        mesh=mesh,
        scratch_types=[
            pltpu.VMEM((_CH,), jnp.int32),
            pltpu.VMEM((_CH, _DP), jnp.float32),
            pltpu.SemaphoreType.DMA,
        ],
        compiler_params=pltpu.CompilerParams(use_tc_tiling_on_sc=False),
    )
    pt_pad = jnp.pad(pos_table, ((0, 0), (0, _DP - POS_DIM)))
    nt_pad = jnp.pad(ner_table, ((0, 0), (0, _DP - NER_DIM)))
    pos_ep, ner_ep = sc_emb(pt_pad, nt_pad, pos.reshape(-1), ner.reshape(-1))
    pos_embs = pos_ep.reshape(B, S, _DP)[:, :, :POS_DIM]
    ner_embs = ner_ep.reshape(B, S, _DP)[:, :, :NER_DIM]

    l = jnp.sum((masks == 0.0).astype(jnp.int32), axis=1)
    alen = jnp.arange(S)
    amask = alen[None, :] < l[:, None]
    pad_mask = jnp.broadcast_to((~amask)[:, None, :], (B, S, S))
    head_eff = jnp.where((head > 0) & amask, head, 0)
    dep_mask = head_eff[:, None, :] != (alen + 1)[None, :, None]
    seq_mask = jnp.broadcast_to(~(alen[None, None, :] <= alen[None, :, None]),
                                (B, S, S))

    return (pos_embs, ner_embs, dep_mask, pad_mask, seq_mask, adj)

# --- scband reference (transcript-rebuilt; emitter-appended) ---
"""Pipeline reference for scband-input-layer-26482768347416 (READ-ONLY COPY).

The authoritative reference and input builder live on the scoring server;
editing this copy changes nothing except your own understanding.
"""

import jax, jax.numpy as jnp
import numpy as np

B = 1024
S = 200
N_POS = 53
N_NER = 25
POS_DIM = 30
NER_DIM = 30
PAD_ID = 0


def setup_inputs(seed: int = 0) -> dict:
    key = jax.random.key(seed)
    ks = jax.random.split(key, 11)
    words = jax.random.randint(ks[0], (B, S), 0, 50000)
    masks = jnp.zeros((B, S), dtype=jnp.float32)  # 0 => valid token, so all lengths == S (static maxlen)
    pos = jax.random.randint(ks[1], (B, S), 0, N_POS)
    ner = jax.random.randint(ks[2], (B, S), 0, N_NER)
    deprel = jax.random.randint(ks[3], (B, S), 0, 40)
    head = jax.random.randint(ks[4], (B, S), 0, S)  # 0 = root, else 1-indexed head position
    subj_pos = jax.random.randint(ks[5], (B, S), 0, S)
    obj_pos = jax.random.randint(ks[6], (B, S), 0, S)
    subj_type = jax.random.randint(ks[7], (B,), 0, N_NER)
    obj_type = jax.random.randint(ks[8], (B,), 0, N_NER)
    pos_table = jax.random.normal(ks[9], (N_POS, POS_DIM), dtype=jnp.float32) * (POS_DIM ** -0.5)
    pos_table = pos_table.at[PAD_ID].set(0.0)
    ner_table = jax.random.normal(ks[10], (N_NER, NER_DIM), dtype=jnp.float32) * (NER_DIM ** -0.5)
    ner_table = ner_table.at[PAD_ID].set(0.0)
    return dict(words=words, masks=masks, pos=pos, ner=ner, deprel=deprel, head=head,
                subj_pos=subj_pos, obj_pos=obj_pos, subj_type=subj_type, obj_type=obj_type,
                pos_table=pos_table, ner_table=ner_table)


def reference(words, masks, pos, ner, deprel, head, subj_pos, obj_pos, subj_type, obj_type,
              pos_table, ner_table):
    Bb, Ss = pos.shape
    # lengths from masks (0 == valid); with all-zero masks every length == Ss, maxlen == Ss (static)
    l = (masks == 0).astype(jnp.int32).sum(axis=1)
    # embedding lookups (SparseCore gather)
    pos_embs = jnp.take(pos_table, pos, axis=0)
    ner_embs = jnp.take(ner_table, ner, axis=0)
    # dependency-tree adjacency (prune_k = -1 -> full tree): adj[b, head-1, i] = 1 for non-root tokens
    alen = jnp.arange(Ss)
    valid = (head > 0) & (alen[None, :] < l[:, None])
    rows = jnp.clip(head - 1, 0, Ss - 1)
    b_idx = jnp.broadcast_to(jnp.arange(Bb)[:, None], (Bb, Ss))
    cols = jnp.broadcast_to(alen[None, :], (Bb, Ss))
    adj = jnp.zeros((Bb, Ss, Ss), dtype=jnp.float32).at[b_idx, rows, cols].add(valid.astype(jnp.float32))
    adj = jnp.minimum(adj, 1.0)
    # get_mask_from_adj
    dep_mask = (adj == 0)
    # get_attn_masks
    mask = alen[None, :] < l[:, None]
    pad_mask = jnp.broadcast_to((~mask)[:, None, :], (Bb, Ss, Ss))
    seq_mask = jnp.broadcast_to(~(alen[None, None, :] <= alen[None, :, None]), (Bb, Ss, Ss))
    dist_embs = None  # module returns None for dist_embs
    return (pos_embs, ner_embs, dep_mask, pad_mask, seq_mask, adj)

if __name__ == "__main__":
    import jax
    _d = setup_inputs()
    print(jax.jit(kernel)(*tuple(_d.values())))

</pallas_src>

<mosaic_0001>
#map = affine_map<(d0, d1) -> (0, 0)>
#map1 = affine_map<(d0, d1) -> (0)>
module attributes {stable_mosaic.version = 14 : i64} {
  func.func @_sc_emb_body(%arg0: i32, %arg1: i32, %arg2: memref<53x32xf32, #tpu.memory_space<hbm>>, %arg3: memref<25x32xf32, #tpu.memory_space<hbm>>, %arg4: memref<204800xi32, #tpu.memory_space<hbm>>, %arg5: memref<204800xi32, #tpu.memory_space<hbm>>, %arg6: memref<204800x32xf32, #tpu.memory_space<hbm>>, %arg7: memref<204800x32xf32, #tpu.memory_space<hbm>>, %arg8: memref<3200xi32, #tpu.memory_space<vmem>>, %arg9: memref<3200x32xf32, #tpu.memory_space<vmem>>, %arg10: memref<!tpu.dma_semaphore, #tpu.memory_space<semaphore_mem>>) attributes {dimension_semantics = [#tpu.dimension_semantics<core_parallel>, #tpu.dimension_semantics<subcore_parallel>], iteration_bounds = array<i64: 2, 16>, scalar_prefetch = 0 : i64, scratch_operands = 3 : i64, tpu.core_type = #tpu.core_type<sc_vector_subcore>, window_params = [{transform_indices = #map}, {transform_indices = #map}, {transform_indices = #map1}, {transform_indices = #map1}, {transform_indices = #map}, {transform_indices = #map}]} {
    %mul3A = arith.constant 2 : i32
    %mul3A_0 = arith.muli %arg1, %mul3A : i32
    %add3A = arith.addi %mul3A_0, %arg0 : i32
    %mul3A_1 = arith.constant 6400 : i32
    %mul3A_2 = arith.muli %add3A, %mul3A_1 : i32
    %add3A_3 = arith.constant 0 : i32
    %add3A_4 = arith.addi %mul3A_2, %add3A_3 : i32
    "tpu.region"() ({
      %run_scoped3A = tpu.sem_alloc : memref<!tpu.dma_semaphore, #tpu.memory_space<semaphore_mem>>
      %dma_start3A_39 = tpu.memref_slice %arg4[%add3A_4] : memref<204800xi32, #tpu.memory_space<hbm>> -> memref<3200xi32, #tpu.memory_space<hbm>>
      %dma_start3A_40 = tpu.memref_slice %arg4[%add3A_4] : memref<204800xi32, #tpu.memory_space<hbm>> -> memref<3200xi32, #tpu.memory_space<hbm>>
      tpu.enqueue_dma source(%dma_start3A_40 : memref<3200xi32, #tpu.memory_space<hbm>>) target(%arg8 : memref<3200xi32, #tpu.memory_space<vmem>>) target_semaphore(%run_scoped3A : memref<!tpu.dma_semaphore, #tpu.memory_space<semaphore_mem>>)
      %dma_wait3A_41 = tpu.memref_slice %arg4[%add3A_4] : memref<204800xi32, #tpu.memory_space<hbm>> -> memref<3200xi32, #tpu.memory_space<hbm>>
      %dma_wait3A_42 = tpu.memref_slice %arg4[%add3A_4] : memref<204800xi32, #tpu.memory_space<hbm>> -> memref<3200xi32, #tpu.memory_space<hbm>>
      tpu.wait_dma2 semaphore(%run_scoped3A : memref<!tpu.dma_semaphore, #tpu.memory_space<semaphore_mem>>) src(%dma_wait3A_42 : memref<3200xi32, #tpu.memory_space<hbm>>) dst(%arg8 : memref<3200xi32, #tpu.memory_space<vmem>>)
      tpu.yield
    }) : () -> ()
    %dma_start3A = arith.constant 0 : i32
    %dma_start3A_5 = arith.constant 0 : i32
    %dma_start3A_6 = tpu.memref_slice %arg2[%dma_start3A, %dma_start3A_5] : memref<53x32xf32, #tpu.memory_space<hbm>> -> memref<53x32xf32, #tpu.memory_space<hbm>>
    tpu.enqueue_indirect_dma source(%dma_start3A_6 : memref<53x32xf32, #tpu.memory_space<hbm>>) target(%arg9 : memref<3200x32xf32, #tpu.memory_space<vmem>>) offsets(%arg8 : memref<3200xi32, #tpu.memory_space<vmem>>) semaphore(%arg10 : memref<!tpu.dma_semaphore, #tpu.memory_space<semaphore_mem>>)
    %dma_wait3A = arith.constant 0 : i32
    %dma_wait3A_7 = arith.constant 0 : i32
    %dma_wait3A_8 = tpu.memref_slice %arg2[%dma_wait3A, %dma_wait3A_7] : memref<53x32xf32, #tpu.memory_space<hbm>> -> memref<53x32xf32, #tpu.memory_space<hbm>>
    tpu.wait_indirect_dma semaphore(%arg10 : memref<!tpu.dma_semaphore, #tpu.memory_space<semaphore_mem>>) src(%dma_wait3A_8 : memref<53x32xf32, #tpu.memory_space<hbm>>) dst(%arg9 : memref<3200x32xf32, #tpu.memory_space<vmem>>)
    "tpu.region"() ({
      %run_scoped3A = tpu.sem_alloc : memref<!tpu.dma_semaphore, #tpu.memory_space<semaphore_mem>>
      %dma_start3A_39 = arith.constant 0 : i32
      %dma_start3A_40 = tpu.memref_slice %arg6[%add3A_4, %dma_start3A_39] : memref<204800x32xf32, #tpu.memory_space<hbm>> -> memref<3200x32xf32, #tpu.memory_space<hbm>>
      %dma_start3A_41 = arith.constant 0 : i32
      %dma_start3A_42 = tpu.memref_slice %arg6[%add3A_4, %dma_start3A_41] : memref<204800x32xf32, #tpu.memory_space<hbm>> -> memref<3200x32xf32, #tpu.memory_space<hbm>>
      tpu.enqueue_dma source(%arg9 : memref<3200x32xf32, #tpu.memory_space<vmem>>) target(%dma_start3A_42 : memref<3200x32xf32, #tpu.memory_space<hbm>>) target_semaphore(%run_scoped3A : memref<!tpu.dma_semaphore, #tpu.memory_space<semaphore_mem>>)
      %dma_wait3A_43 = arith.constant 0 : i32
      %dma_wait3A_44 = tpu.memref_slice %arg6[%add3A_4, %dma_wait3A_43] : memref<204800x32xf32, #tpu.memory_space<hbm>> -> memref<3200x32xf32, #tpu.memory_space<hbm>>
      %dma_wait3A_45 = arith.constant 0 : i32
      %dma_wait3A_46 = tpu.memref_slice %arg6[%add3A_4, %dma_wait3A_45] : memref<204800x32xf32, #tpu.memory_space<hbm>> -> memref<3200x32xf32, #tpu.memory_space<hbm>>
      tpu.wait_dma2 semaphore(%run_scoped3A : memref<!tpu.dma_semaphore, #tpu.memory_space<semaphore_mem>>) src(%arg9 : memref<3200x32xf32, #tpu.memory_space<vmem>>) dst(%dma_wait3A_46 : memref<3200x32xf32, #tpu.memory_space<hbm>>)
      tpu.yield
    }) : () -> ()
    %mul3A_9 = arith.constant 6400 : i32
    %mul3A_10 = arith.muli %add3A, %mul3A_9 : i32
    %add3A_11 = arith.constant 3200 : i32
    %add3A_12 = arith.addi %mul3A_10, %add3A_11 : i32
    "tpu.region"() ({
      %run_scoped3A = tpu.sem_alloc : memref<!tpu.dma_semaphore, #tpu.memory_space<semaphore_mem>>
      %dma_start3A_39 = tpu.memref_slice %arg4[%add3A_12] : memref<204800xi32, #tpu.memory_space<hbm>> -> memref<3200xi32, #tpu.memory_space<hbm>>
      %dma_start3A_40 = tpu.memref_slice %arg4[%add3A_12] : memref<204800xi32, #tpu.memory_space<hbm>> -> memref<3200xi32, #tpu.memory_space<hbm>>
      tpu.enqueue_dma source(%dma_start3A_40 : memref<3200xi32, #tpu.memory_space<hbm>>) target(%arg8 : memref<3200xi32, #tpu.memory_space<vmem>>) target_semaphore(%run_scoped3A : memref<!tpu.dma_semaphore, #tpu.memory_space<semaphore_mem>>)
      %dma_wait3A_41 = tpu.memref_slice %arg4[%add3A_12] : memref<204800xi32, #tpu.memory_space<hbm>> -> memref<3200xi32, #tpu.memory_space<hbm>>
      %dma_wait3A_42 = tpu.memref_slice %arg4[%add3A_12] : memref<204800xi32, #tpu.memory_space<hbm>> -> memref<3200xi32, #tpu.memory_space<hbm>>
      tpu.wait_dma2 semaphore(%run_scoped3A : memref<!tpu.dma_semaphore, #tpu.memory_space<semaphore_mem>>) src(%dma_wait3A_42 : memref<3200xi32, #tpu.memory_space<hbm>>) dst(%arg8 : memref<3200xi32, #tpu.memory_space<vmem>>)
      tpu.yield
    }) : () -> ()
    %dma_start3A_13 = arith.constant 0 : i32
    %dma_start3A_14 = arith.constant 0 : i32
    %dma_start3A_15 = tpu.memref_slice %arg2[%dma_start3A_13, %dma_start3A_14] : memref<53x32xf32, #tpu.memory_space<hbm>> -> memref<53x32xf32, #tpu.memory_space<hbm>>
    tpu.enqueue_indirect_dma source(%dma_start3A_15 : memref<53x32xf32, #tpu.memory_space<hbm>>) target(%arg9 : memref<3200x32xf32, #tpu.memory_space<vmem>>) offsets(%arg8 : memref<3200xi32, #tpu.memory_space<vmem>>) semaphore(%arg10 : memref<!tpu.dma_semaphore, #tpu.memory_space<semaphore_mem>>)
    %dma_wait3A_16 = arith.constant 0 : i32
    %dma_wait3A_17 = arith.constant 0 : i32
    %dma_wait3A_18 = tpu.memref_slice %arg2[%dma_wait3A_16, %dma_wait3A_17] : memref<53x32xf32, #tpu.memory_space<hbm>> -> memref<53x32xf32, #tpu.memory_space<hbm>>
    tpu.wait_indirect_dma semaphore(%arg10 : memref<!tpu.dma_semaphore, #tpu.memory_space<semaphore_mem>>) src(%dma_wait3A_18 : memref<53x32xf32, #tpu.memory_space<hbm>>) dst(%arg9 : memref<3200x32xf32, #tpu.memory_space<vmem>>)
    "tpu.region"() ({
      %run_scoped3A = tpu.sem_alloc : memref<!tpu.dma_semaphore, #tpu.memory_space<semaphore_mem>>
      %dma_start3A_39 = arith.constant 0 : i32
      %dma_start3A_40 = tpu.memref_slice %arg6[%add3A_12, %dma_start3A_39] : memref<204800x32xf32, #tpu.memory_space<hbm>> -> memref<3200x32xf32, #tpu.memory_space<hbm>>
      %dma_start3A_41 = arith.constant 0 : i32
      %dma_start3A_42 = tpu.memref_slice %arg6[%add3A_12, %dma_start3A_41] : memref<204800x32xf32, #tpu.memory_space<hbm>> -> memref<3200x32xf32, #tpu.memory_space<hbm>>
      tpu.enqueue_dma source(%arg9 : memref<3200x32xf32, #tpu.memory_space<vmem>>) target(%dma_start3A_42 : memref<3200x32xf32, #tpu.memory_space<hbm>>) target_semaphore(%run_scoped3A : memref<!tpu.dma_semaphore, #tpu.memory_space<semaphore_mem>>)
      %dma_wait3A_43 = arith.constant 0 : i32
      %dma_wait3A_44 = tpu.memref_slice %arg6[%add3A_12, %dma_wait3A_43] : memref<204800x32xf32, #tpu.memory_space<hbm>> -> memref<3200x32xf32, #tpu.memory_space<hbm>>
      %dma_wait3A_45 = arith.constant 0 : i32
      %dma_wait3A_46 = tpu.memref_slice %arg6[%add3A_12, %dma_wait3A_45] : memref<204800x32xf32, #tpu.memory_space<hbm>> -> memref<3200x32xf32, #tpu.memory_space<hbm>>
      tpu.wait_dma2 semaphore(%run_scoped3A : memref<!tpu.dma_semaphore, #tpu.memory_space<semaphore_mem>>) src(%arg9 : memref<3200x32xf32, #tpu.memory_space<vmem>>) dst(%dma_wait3A_46 : memref<3200x32xf32, #tpu.memory_space<hbm>>)
      tpu.yield
    }) : () -> ()
    %mul3A_19 = arith.constant 6400 : i32
    %mul3A_20 = arith.muli %add3A, %mul3A_19 : i32
    %add3A_21 = arith.constant 0 : i32
    %add3A_22 = arith.addi %mul3A_20, %add3A_21 : i32
    "tpu.region"() ({
      %run_scoped3A = tpu.sem_alloc : memref<!tpu.dma_semaphore, #tpu.memory_space<semaphore_mem>>
      %dma_start3A_39 = tpu.memref_slice %arg5[%add3A_22] : memref<204800xi32, #tpu.memory_space<hbm>> -> memref<3200xi32, #tpu.memory_space<hbm>>
      %dma_start3A_40 = tpu.memref_slice %arg5[%add3A_22] : memref<204800xi32, #tpu.memory_space<hbm>> -> memref<3200xi32, #tpu.memory_space<hbm>>
      tpu.enqueue_dma source(%dma_start3A_40 : memref<3200xi32, #tpu.memory_space<hbm>>) target(%arg8 : memref<3200xi32, #tpu.memory_space<vmem>>) target_semaphore(%run_scoped3A : memref<!tpu.dma_semaphore, #tpu.memory_space<semaphore_mem>>)
      %dma_wait3A_41 = tpu.memref_slice %arg5[%add3A_22] : memref<204800xi32, #tpu.memory_space<hbm>> -> memref<3200xi32, #tpu.memory_space<hbm>>
      %dma_wait3A_42 = tpu.memref_slice %arg5[%add3A_22] : memref<204800xi32, #tpu.memory_space<hbm>> -> memref<3200xi32, #tpu.memory_space<hbm>>
      tpu.wait_dma2 semaphore(%run_scoped3A : memref<!tpu.dma_semaphore, #tpu.memory_space<semaphore_mem>>) src(%dma_wait3A_42 : memref<3200xi32, #tpu.memory_space<hbm>>) dst(%arg8 : memref<3200xi32, #tpu.memory_space<vmem>>)
      tpu.yield
    }) : () -> ()
    %dma_start3A_23 = arith.constant 0 : i32
    %dma_start3A_24 = arith.constant 0 : i32
    %dma_start3A_25 = tpu.memref_slice %arg3[%dma_start3A_23, %dma_start3A_24] : memref<25x32xf32, #tpu.memory_space<hbm>> -> memref<25x32xf32, #tpu.memory_space<hbm>>
    tpu.enqueue_indirect_dma source(%dma_start3A_25 : memref<25x32xf32, #tpu.memory_space<hbm>>) target(%arg9 : memref<3200x32xf32, #tpu.memory_space<vmem>>) offsets(%arg8 : memref<3200xi32, #tpu.memory_space<vmem>>) semaphore(%arg10 : memref<!tpu.dma_semaphore, #tpu.memory_space<semaphore_mem>>)
    %dma_wait3A_26 = arith.constant 0 : i32
    %dma_wait3A_27 = arith.constant 0 : i32
    %dma_wait3A_28 = tpu.memref_slice %arg3[%dma_wait3A_26, %dma_wait3A_27] : memref<25x32xf32, #tpu.memory_space<hbm>> -> memref<25x32xf32, #tpu.memory_space<hbm>>
    tpu.wait_indirect_dma semaphore(%arg10 : memref<!tpu.dma_semaphore, #tpu.memory_space<semaphore_mem>>) src(%dma_wait3A_28 : memref<25x32xf32, #tpu.memory_space<hbm>>) dst(%arg9 : memref<3200x32xf32, #tpu.memory_space<vmem>>)
    "tpu.region"() ({
      %run_scoped3A = tpu.sem_alloc : memref<!tpu.dma_semaphore, #tpu.memory_space<semaphore_mem>>
      %dma_start3A_39 = arith.constant 0 : i32
      %dma_start3A_40 = tpu.memref_slice %arg7[%add3A_22, %dma_start3A_39] : memref<204800x32xf32, #tpu.memory_space<hbm>> -> memref<3200x32xf32, #tpu.memory_space<hbm>>
      %dma_start3A_41 = arith.constant 0 : i32
      %dma_start3A_42 = tpu.memref_slice %arg7[%add3A_22, %dma_start3A_41] : memref<204800x32xf32, #tpu.memory_space<hbm>> -> memref<3200x32xf32, #tpu.memory_space<hbm>>
      tpu.enqueue_dma source(%arg9 : memref<3200x32xf32, #tpu.memory_space<vmem>>) target(%dma_start3A_42 : memref<3200x32xf32, #tpu.memory_space<hbm>>) target_semaphore(%run_scoped3A : memref<!tpu.dma_semaphore, #tpu.memory_space<semaphore_mem>>)
      %dma_wait3A_43 = arith.constant 0 : i32
      %dma_wait3A_44 = tpu.memref_slice %arg7[%add3A_22, %dma_wait3A_43] : memref<204800x32xf32, #tpu.memory_space<hbm>> -> memref<3200x32xf32, #tpu.memory_space<hbm>>
      %dma_wait3A_45 = arith.constant 0 : i32
      %dma_wait3A_46 = tpu.memref_slice %arg7[%add3A_22, %dma_wait3A_45] : memref<204800x32xf32, #tpu.memory_space<hbm>> -> memref<3200x32xf32, #tpu.memory_space<hbm>>
      tpu.wait_dma2 semaphore(%run_scoped3A : memref<!tpu.dma_semaphore, #tpu.memory_space<semaphore_mem>>) src(%arg9 : memref<3200x32xf32, #tpu.memory_space<vmem>>) dst(%dma_wait3A_46 : memref<3200x32xf32, #tpu.memory_space<hbm>>)
      tpu.yield
    }) : () -> ()
    %mul3A_29 = arith.constant 6400 : i32
    %mul3A_30 = arith.muli %add3A, %mul3A_29 : i32
    %add3A_31 = arith.constant 3200 : i32
    %add3A_32 = arith.addi %mul3A_30, %add3A_31 : i32
    "tpu.region"() ({
      %run_scoped3A = tpu.sem_alloc : memref<!tpu.dma_semaphore, #tpu.memory_space<semaphore_mem>>
      %dma_start3A_39 = tpu.memref_slice %arg5[%add3A_32] : memref<204800xi32, #tpu.memory_space<hbm>> -> memref<3200xi32, #tpu.memory_space<hbm>>
      %dma_start3A_40 = tpu.memref_slice %arg5[%add3A_32] : memref<204800xi32, #tpu.memory_space<hbm>> -> memref<3200xi32, #tpu.memory_space<hbm>>
      tpu.enqueue_dma source(%dma_start3A_40 : memref<3200xi32, #tpu.memory_space<hbm>>) target(%arg8 : memref<3200xi32, #tpu.memory_space<vmem>>) target_semaphore(%run_scoped3A : memref<!tpu.dma_semaphore, #tpu.memory_space<semaphore_mem>>)
      %dma_wait3A_41 = tpu.memref_slice %arg5[%add3A_32] : memref<204800xi32, #tpu.memory_space<hbm>> -> memref<3200xi32, #tpu.memory_space<hbm>>
      %dma_wait3A_42 = tpu.memref_slice %arg5[%add3A_32] : memref<204800xi32, #tpu.memory_space<hbm>> -> memref<3200xi32, #tpu.memory_space<hbm>>
      tpu.wait_dma2 semaphore(%run_scoped3A : memref<!tpu.dma_semaphore, #tpu.memory_space<semaphore_mem>>) src(%dma_wait3A_42 : memref<3200xi32, #tpu.memory_space<hbm>>) dst(%arg8 : memref<3200xi32, #tpu.memory_space<vmem>>)
      tpu.yield
    }) : () -> ()
    %dma_start3A_33 = arith.constant 0 : i32
    %dma_start3A_34 = arith.constant 0 : i32
    %dma_start3A_35 = tpu.memref_slice %arg3[%dma_start3A_33, %dma_start3A_34] : memref<25x32xf32, #tpu.memory_space<hbm>> -> memref<25x32xf32, #tpu.memory_space<hbm>>
    tpu.enqueue_indirect_dma source(%dma_start3A_35 : memref<25x32xf32, #tpu.memory_space<hbm>>) target(%arg9 : memref<3200x32xf32, #tpu.memory_space<vmem>>) offsets(%arg8 : memref<3200xi32, #tpu.memory_space<vmem>>) semaphore(%arg10 : memref<!tpu.dma_semaphore, #tpu.memory_space<semaphore_mem>>)
    %dma_wait3A_36 = arith.constant 0 : i32
    %dma_wait3A_37 = arith.constant 0 : i32
    %dma_wait3A_38 = tpu.memref_slice %arg3[%dma_wait3A_36, %dma_wait3A_37] : memref<25x32xf32, #tpu.memory_space<hbm>> -> memref<25x32xf32, #tpu.memory_space<hbm>>
    tpu.wait_indirect_dma semaphore(%arg10 : memref<!tpu.dma_semaphore, #tpu.memory_space<semaphore_mem>>) src(%dma_wait3A_38 : memref<25x32xf32, #tpu.memory_space<hbm>>) dst(%arg9 : memref<3200x32xf32, #tpu.memory_space<vmem>>)
    "tpu.region"() ({
      %run_scoped3A = tpu.sem_alloc : memref<!tpu.dma_semaphore, #tpu.memory_space<semaphore_mem>>
      %dma_start3A_39 = arith.constant 0 : i32
      %dma_start3A_40 = tpu.memref_slice %arg7[%add3A_32, %dma_start3A_39] : memref<204800x32xf32, #tpu.memory_space<hbm>> -> memref<3200x32xf32, #tpu.memory_space<hbm>>
      %dma_start3A_41 = arith.constant 0 : i32
      %dma_start3A_42 = tpu.memref_slice %arg7[%add3A_32, %dma_start3A_41] : memref<204800x32xf32, #tpu.memory_space<hbm>> -> memref<3200x32xf32, #tpu.memory_space<hbm>>
      tpu.enqueue_dma source(%arg9 : memref<3200x32xf32, #tpu.memory_space<vmem>>) target(%dma_start3A_42 : memref<3200x32xf32, #tpu.memory_space<hbm>>) target_semaphore(%run_scoped3A : memref<!tpu.dma_semaphore, #tpu.memory_space<semaphore_mem>>)
      %dma_wait3A_43 = arith.constant 0 : i32
      %dma_wait3A_44 = tpu.memref_slice %arg7[%add3A_32, %dma_wait3A_43] : memref<204800x32xf32, #tpu.memory_space<hbm>> -> memref<3200x32xf32, #tpu.memory_space<hbm>>
      %dma_wait3A_45 = arith.constant 0 : i32
      %dma_wait3A_46 = tpu.memref_slice %arg7[%add3A_32, %dma_wait3A_45] : memref<204800x32xf32, #tpu.memory_space<hbm>> -> memref<3200x32xf32, #tpu.memory_space<hbm>>
      tpu.wait_dma2 semaphore(%run_scoped3A : memref<!tpu.dma_semaphore, #tpu.memory_space<semaphore_mem>>) src(%arg9 : memref<3200x32xf32, #tpu.memory_space<vmem>>) dst(%dma_wait3A_46 : memref<3200x32xf32, #tpu.memory_space<hbm>>)
      tpu.yield
    }) : () -> ()
    return
  }
}

module attributes {stable_mosaic.version = 14 : i64} {
  func.func @_mask_body(%arg0: i32, %arg1: memref<200x1024xf32, #tpu.memory_space<vmem>>, %arg2: memref<200x1024xi32, #tpu.memory_space<vmem>>, %arg3: memref<8x200x1024xf32, #tpu.memory_space<vmem>>) attributes {dimension_semantics = [#tpu.dimension_semantics<arbitrary>], iteration_bounds = array<i64: 25>, scalar_prefetch = 0 : i64, scratch_operands = 0 : i64, tpu.core_type = #tpu.core_type<tc>, window_params = [{pipeline_mode = #tpu.pipeline_mode<synchronous>, transform_indices = @transform_0, window_bounds = array<i64: 200, 1024>}, {pipeline_mode = #tpu.pipeline_mode<synchronous>, transform_indices = @transform_1, window_bounds = array<i64: 200, 1024>}, {transform_indices = @transform_2, window_bounds = array<i64: 8, 200, 1024>}]} {
    %get3A = arith.constant 0 : index
    %get3A_0 = arith.constant 0 : index
    %get3A_1 = vector.load %arg1[%get3A, %get3A_0] : memref<200x1024xf32, #tpu.memory_space<vmem>>, vector<200x1024xf32>
    %eq3A = arith.constant 0.000000e+00 : f32
    %eq3A_2 = vector.broadcast %eq3A : f32 to vector<200x1024xf32>
    %eq3A_3 = arith.cmpf oeq, %get3A_1, %eq3A_2 : vector<200x1024xf32>
    %convert_element_type3A = arith.extui %eq3A_3 : vector<200x1024xi1> to vector<200x1024xi32>
    %reduce_sum3A = arith.constant dense<0> : vector<1024xi32>
    %reduce_sum3A_4 = vector.multi_reduction <add>, %convert_element_type3A, %reduce_sum3A [0] : vector<200x1024xi32> to vector<1024xi32>
    %broadcast_in_dim3A = vector.shape_cast %reduce_sum3A_4 : vector<1024xi32> to vector<1x1024xi32>
    %get3A_5 = arith.constant 0 : index
    %get3A_6 = arith.constant 0 : index
    %get3A_7 = vector.load %arg2[%get3A_5, %get3A_6] : memref<200x1024xi32, #tpu.memory_space<vmem>>, vector<200x1024xi32>
    %iota3A = tpu.iota {dimensions = array<i32: 0>} : vector<200x1xi32>
    %lt3A = vector.broadcast %iota3A : vector<200x1xi32> to vector<200x1024xi32>
    %lt3A_8 = vector.broadcast %broadcast_in_dim3A : vector<1x1024xi32> to vector<200x1024xi32>
    %lt3A_9 = arith.cmpi slt, %lt3A, %lt3A_8 : vector<200x1024xi32>
    %gt3A = arith.constant 0 : i32
    %gt3A_10 = vector.broadcast %gt3A : i32 to vector<200x1024xi32>
    %gt3A_11 = arith.cmpi sgt, %get3A_7, %gt3A_10 : vector<200x1024xi32>
    %and3A = arith.andi %gt3A_11, %lt3A_9 : vector<200x1024xi1>
    %jit3A = arith.constant 0 : i32
    %broadcast_in_dim3A_12 = vector.broadcast %jit3A : i32 to vector<200x1024xi32>
    %select_n3A = arith.select %and3A, %get3A_7, %broadcast_in_dim3A_12 : vector<200x1024xi1>, vector<200x1024xi32>
    %iota3A_13 = tpu.iota {dimensions = array<i32: 0>} : vector<8x1x1xi32>
    %mul3A = arith.constant 8 : i32
    %mul3A_14 = arith.muli %arg0, %mul3A : i32
    %add3A = vector.broadcast %mul3A_14 : i32 to vector<8x1x1xi32>
    %add3A_15 = arith.addi %iota3A_13, %add3A : vector<8x1x1xi32>
    %broadcast_in_dim3A_16 = vector.shape_cast %select_n3A : vector<200x1024xi32> to vector<1x200x1024xi32>
    %add3A_17 = arith.constant 1 : i32
    %add3A_18 = vector.broadcast %add3A_17 : i32 to vector<8x1x1xi32>
    %add3A_19 = arith.addi %add3A_15, %add3A_18 : vector<8x1x1xi32>
    %eq3A_20 = vector.broadcast %broadcast_in_dim3A_16 : vector<1x200x1024xi32> to vector<8x200x1024xi32>
    %eq3A_21 = vector.broadcast %add3A_19 : vector<8x1x1xi32> to vector<8x200x1024xi32>
    %eq3A_22 = arith.cmpi eq, %eq3A_20, %eq3A_21 : vector<8x200x1024xi32>
    %convert_element_type3A_23 = arith.extui %eq3A_22 : vector<8x200x1024xi1> to vector<8x200x1024xi32>
    %convert_element_type3A_24 = arith.sitofp %convert_element_type3A_23 : vector<8x200x1024xi32> to vector<8x200x1024xf32>
    %swap3A = arith.constant 0 : index
    %swap3A_25 = arith.constant 0 : index
    %swap3A_26 = arith.constant 0 : index
    %swap3A_27 = vector.load %arg3[%swap3A, %swap3A_25, %swap3A_26] : memref<8x200x1024xf32, #tpu.memory_space<vmem>>, vector<8x200x1024xf32>
    tpu.vector_store %arg3[%swap3A, %swap3A_25, %swap3A_26], %convert_element_type3A_24 {strides = array<i32>} : memref<8x200x1024xf32, #tpu.memory_space<vmem>>, vector<8x200x1024xf32>,
    return
  }
  func.func @transform_0(%arg0: i32) -> (i32, i32) {
    %c0_i32 = arith.constant 0 : i32
    %c0_i32_0 = arith.constant 0 : i32
    %c0_i32_1 = arith.constant 0 : i32
    return %c0_i32, %c0_i32_0 : i32, i32
  }
  func.func @transform_1(%arg0: i32) -> (i32, i32) {
    %c0_i32 = arith.constant 0 : i32
    %c0_i32_0 = arith.constant 0 : i32
    %c0_i32_1 = arith.constant 0 : i32
    return %c0_i32, %c0_i32_0 : i32, i32
  }
  func.func @transform_2(%arg0: i32) -> (i32, i32, i32) {
    %c0_i32 = arith.constant 0 : i32
    %c0_i32_0 = arith.constant 0 : i32
    %c0_i32_1 = arith.constant 0 : i32
    return %arg0, %c0_i32, %c0_i32_0 : i32, i32, i32
  }
}

</mosaic_0001>

<sc_bundles>
// kernel: kernel.4.cloned.1.call-start
scs
__scs_entry_jumppad:
0x0: {  	(pc) =	sbr.rel $0x88, $3  }
0x1: {  	(tag) =	ssettag $0x0;
	lr =	simm.s32 $0x1  }
0x2: {  	[smem:$0x3F9B] =	sst lr;
	_ =	strace $0xD0000000  }
0x3: {  	_ = 	snop  }
0x4: {  	_ = 	snop  }
0x5: {  	_ = 	snop  }
0x6: {  	_ = 	snop  }
0x7: {  	_ = 	snop  }
__scs_overlays_trampoline_lowered:
0x8: {  	[smem:$0x3FAA] =	sst s0  }
0x9: {  	[smem:$0x3FAB] =	sst s1  }
0xa: {  	[smem:$0x3FAC] =	sst s2  }
0xb: {  	[smem:$0x3FAD] =	sst s3  }
0xc: {  	[smem:$0x3FAE] =	sst s4  }
0xd: {  	[smem:$0x3FAF] =	sst s5  }
0xe: {  	[smem:$0x3FB0] =	sst s6  }
0xf: {  	[smem:$0x3FB1] =	sst s7  }
0x10: {  	[smem:$0x3FB2] =	sst s8  }
0x11: {  	[smem:$0x3FB3] =	sst s9;
	s0 =	simm.s32 @!p0 $0x0  }
0x12: {  	s1 =	sld [smem:$0x3F99];
	s0 =	simm.s32 @p0 $0x1  }
0x13: {  	[smem:$0x3FB4] =	sst s0;
	s0 =	simm.s32 @!p1 $0x0  }
0x14: {  	s2 =	sld [smem:$0x3F98];
	s0 =	simm.s32 @p1 $0x1  }
0x15: {  	[smem:$0x3FB5] =	sst s0;
	s0 =	simm.s32 @!p2 $0x0  }
0x16: {  	s3 =	sld [smem:$0x3FDB];
	s0 =	simm.s32 @p2 $0x1  }
0x17: {  	s4 =	simm.s32 $0x1BF5;
	[smem:$0x3FB7] =	sst s0  }
0x18: {  	s0 =	sld [smem:$0x3F9A];
	_ =	swait.ge [sflag:s4], $0x0  }
0x19: {  	s7 =	sld [smem:$0x3F9B]  }
0x1a: {  	s8 =	sadd.s32 $0xFFFFE003, lr  }
0x1b: {  	s9 =	sadd.s32 $0xFFFFFEF7, lr;
	s5 =	simm.s32 $0xFFFFFFFF;
	p2 =	slt.u32 s8, $0xFFFFF086  }
0x1c: {  	p1 =	slt.u32 s9, $0xF7A;
	s5 =	simm.s32 @!p2 $0x0  }
0x1d: {  	s5 =	simm.s32 @p1 $0x1;
	p0 =	seq.s32 s7, s2  }
0x1e: {  	s7 =	smul.u32 @!p0 $0xF7A, s2;
	p2 =	seq.s32 @!p0 s5, $0x0  }
0x1f: {  	s9 =	smul.u32 $0xF7A, s1;
	s8 =	simm.s32 @!p0 $0x1BF5;
	p2 =	por !p2, p0  }
0x20: {  	[sflag:s8] =	ssyncset.s32 @!p0 $0xFFFFF086;
	s6 =	sadd.s32 @!p0 s3, s7;
	s7 =	simm.s32 @!p0 $0x108  }
0x21: {  	s3 =	sadd.s32 s3, s9;
	s6 =	sadd.s32 @!p0 $0x88, s6;
	s7 =	simm.s32 @p2 $0x1082  }
0x22: {  	[simem:s7], [sflag:s8] =	dma.local @!p0 [hbm:s6], $0xF7A  }
0x23: {  	s9 =	sor.u32 $0xD0000000, s2;
	s6 =	simm.s32 $0x108;
	_ =	swait.ge @!p0 [sflag:s8], $0x0  }
0x24: {  	s3 =	sadd.s32 $0x88, s3;
	s6 =	simm.s32 @!p1 $0x1082;
	[sflag:s4] =	ssyncset.s32 $0xFFFFF086  }
0x25: {  	[simem:s6], [sflag:s4] =	dma.local [hbm:s3], $0xF7A  }
0x26: {  	[smem:$0x3F9B] =	sst s1;
	(tag) =	ssettag s2;
	_ =	strace s9  }
0x27: {  	s1 =	sld [smem:$0x3FAB]  }
0x28: {  	s2 =	sld [smem:$0x3FAC]  }
0x29: {  	s4 =	sld [smem:$0x3FAE]  }
0x2a: {  	p0 =	seq.s32 s5, $0x0;
	s5 =	sld [smem:$0x3FAF]  }
0x2b: {  	s6 =	sld [smem:$0x3FB0]  }
0x2c: {  	s7 =	sld [smem:$0x3FB1]  }
0x2d: {  	s3 =	simm.s32 $0x108;
	s8 =	sld [smem:$0x3FB2]  }
0x2e: {  	s3 =	simm.s32 @!p0 $0x1082;
	s9 =	sld [smem:$0x3FB3]  }
0x2f: {  	lr =	sadd.s32 s0, s3;
	s0 =	sld [smem:$0x3FAA]  }
0x30: {  	s3 =	sld [smem:$0x3FAD]  }
0x31: {  	[smem:$0x3FB6] =	sst s10  }
0x32: {  	s10 =	sld [smem:$0x3FB4];
	_ =	sdelay $0x3  }
0x33: {  	p0 =	seq.s32 s10, $0x1;
	s10 =	sld [smem:$0x3FB6];
	_ =	sdelay $0x3  }
0x34: {  	[smem:$0x3FB6] =	sst s10  }
0x35: {  	s10 =	sld [smem:$0x3FB5];
	_ =	sdelay $0x3  }
0x36: {  	p1 =	seq.s32 s10, $0x1;
	s10 =	sld [smem:$0x3FB6];
	_ =	sdelay $0x3  }
0x37: {  	[smem:$0x3FB6] =	sst s10  }
0x38: {  	s10 =	sld [smem:$0x3FB7]  }
0x39: {  	_ = 	snop;
	(pc) =	sbr.ind lr, $3  }
0x3a: {  	_ = 	snop  }
0x3b: {  	_ = 	snop  }
0x3c: {  	p2 =	seq.s32 s10, $0x1;
	s10 =	sld [smem:$0x3FB6]  }
0x3d: {  	_ =	shalt  }
0x3e: {  	_ =	shalt  }
0x3f: {  	_ =	shalt  }
0x40: {  	_ =	shalt  }
0x41: {  	_ =	shalt  }
0x42: {  	_ =	shalt  }
0x43: {  	_ =	shalt  }
0x44: {  	_ =	shalt  }
0x45: {  	_ =	shalt  }
0x46: {  	_ =	shalt  }
0x47: {  	_ =	shalt  }
0x48: {  	_ =	shalt  }
0x49: {  	_ =	shalt  }
0x4a: {  	_ =	shalt  }
0x4b: {  	_ =	shalt  }
0x4c: {  	_ =	shalt  }
0x4d: {  	_ =	shalt  }
0x4e: {  	_ =	shalt  }
0x4f: {  	_ =	shalt  }
0x50: {  	_ =	shalt  }
0x51: {  	_ =	shalt  }
0x52: {  	_ =	shalt  }
0x53: {  	_ =	shalt  }
0x54: {  	_ =	shalt  }
0x55: {  	_ =	shalt  }
0x56: {  	_ =	shalt  }
0x57: {  	_ =	shalt  }
0x58: {  	_ =	shalt  }
0x59: {  	_ =	shalt  }
0x5a: {  	_ =	shalt  }
0x5b: {  	_ =	shalt  }
0x5c: {  	_ =	shalt  }
0x5d: {  	_ =	shalt  }
0x5e: {  	_ =	shalt  }
0x5f: {  	_ =	shalt  }
0x60: {  	_ =	shalt  }
0x61: {  	_ =	shalt  }
0x62: {  	_ =	shalt  }
0x63: {  	_ =	shalt  }
0x64: {  	_ =	shalt  }
0x65: {  	_ =	shalt  }
0x66: {  	_ =	shalt  }
0x67: {  	_ =	shalt  }
0x68: {  	_ =	shalt  }
0x69: {  	_ =	shalt  }
0x6a: {  	_ =	shalt  }
0x6b: {  	_ =	shalt  }
0x6c: {  	_ =	shalt  }
0x6d: {  	_ =	shalt  }
0x6e: {  	_ =	shalt  }
0x6f: {  	_ =	shalt  }
0x70: {  	_ =	shalt  }
0x71: {  	_ =	shalt  }
0x72: {  	_ =	shalt  }
0x73: {  	_ =	shalt  }
0x74: {  	_ =	shalt  }
0x75: {  	_ =	shalt  }
0x76: {  	_ =	shalt  }
0x77: {  	_ =	shalt  }
0x78: {  	_ =	shalt  }
0x79: {  	_ =	shalt  }
0x7a: {  	_ =	shalt  }
0x7b: {  	_ =	shalt  }
0x7c: {  	_ =	shalt  }
0x7d: {  	_ =	shalt  }
0x7e: {  	_ =	shalt  }
0x7f: {  	_ =	shalt  }
0x80: {  	_ =	shalt  }
0x81: {  	_ =	shalt  }
0x82: {  	_ =	shalt  }
0x83: {  	_ =	shalt  }
0x84: {  	_ =	shalt  }
0x85: {  	_ =	shalt  }
0x86: {  	_ =	shalt  }
0x87: {  	_ =	shalt  }
.Lfunc_end0:
.L_simem_size_0:
called_computation_lowered:
.L_overlay_start_0:
0x88: {  	s2 =	sld [smem:$0x3FD9]  }
0x89: {  	s3 =	sld [smem:$0x3FFE];
	_ =	sdelay $0x1  }
0x8a: {  	s1 =	srdreg.scid  }
0x8b: {  	s0 =	sand.u32 $0x1, s1  }
0x8c: {  	s14 =	sshll.u32 s0, $0xA;
	s2 =	sadd.s32 s3, s2  }
0x8d: {  	s2 =	sadd.s32 s2, s14  }
0x8e: {  	[smem:$0x3FC2] =	sst s2  }
0x8f: {  	_ = 	snop  }
0x90: {  	s2 =	sld [smem:$0x3FD0];
	_ =	sdelay $0x2  }
0x91: {  	s15 =	simm.s32 $0xA;
	s4 =	simm.s32 $0x10  }
0x92: {  	[smem:s4], [sflag:s15] =	dma.local [hbm:s2], $0x1  }
0x93: {  	_ =	swait.eq [sflag:s15], $0x1  }
0x94: {  	s16 =	sld [smem:$0x10]  }
0x95: {  	s17 =	sld [smem:$0x11];
	[sflag:s15] =	ssyncset.done $0x0  }
0x96: {  	s5 =	sld [smem:$0x13];
	[sflag:s15] =	ssyncadd.s32 $0xFFFFFFFF  }
0x97: {  	s18 =	sld [smem:$0x14];
	(tm) =	ssettm $0x1  }
0x98: {  	s6 =	sld [smem:$0x3FFB];
	_ =	sdelay $0x3  }
0x99: {  	_ =	strace s6  }
0x9a: {  	s6 =	sld [smem:$0x3FFC];
	_ =	sdelay $0x3  }
0x9b: {  	_ =	strace s6  }
0x9c: {  	s6 =	sld [smem:$0x3FFD];
	_ =	sdelay $0x3  }
0x9d: {  	_ =	strace s6  }
0x9e: {  	_ =	strace $0x8FFFFFFF  }
0x9f: {  	s19 =	sld [smem:$0x3FDB];
	_ =	sdelay $0x1  }
0xa0: {  	s7 =	simm.s32 $_scs_section_size  }
0xa1: {  	s8 =	simm.s32 $_size__tile_overlayer_lowered;
	s9 =	simm.s32 $_tile_overlayer_lowered  }
0xa2: {  	s22 =	simm.s32 $0x1BFF;
	s21 =	sshll.u32 s9, $0x1;
	s6 =	sadd.s32 s7, s19  }
0xa3: {  	s10 =	simm.s32 $0x0;
	s20 =	sshll.u32 s8, $0x1;
	s8 =	sadd.s32 s21, s6  }
0xa4: {  	[timem:s10], [sflag:s22] =	dma.local [hbm:s8], s20  }
0xa5: {  	_ =	swait.ge [sflag:s22], s20  }
0xa6: {  	s7 =	ssub.s32 $0x0, s20;
	[sflag:s22] =	ssyncset.done $0x0  }
0xa7: {  	[sflag:s22] =	ssyncadd.s32 s7;
	_ =	sdelay $0x1  }
0xa8: {  	s23 =	simm.s32 $0x1B8B  }
0xa9: {  	_ =	swait.ge [sflag:s23], $0x1  }
0xaa: {  	[sflag:s23] =	ssyncset.done $0x0  }
0xab: {  	s25 =	simm.s32 $0x1B8E;
	s24 =	sld [smem:$0x3FFE];
	[sflag:s23] =	ssyncadd.s32 $0xFFFFFFFF  }
0xac: {  	s26 =	simm.s32 $execute0_lowered;
	[smem:$0x3FD2] =	sst s25  }
0xad: {  	s8 =	sshll.u32 s26, $0x1;
	_ =	strace $0x80000046;
	[dreg:$0x1] =	wrdreg $0xFFFFFFFF  }
0xae: {  	s28 =	simm.s32 $_size_execute0_lowered;
	s6 =	sadd.s32 s6, s8;
	[dreg:$0x0] =	wrdreg $0x0  }
0xaf: {  	s8 =	sshll.u32 s28, $0x1;
	[dreg:$0x2] =	wrdreg s6  }
0xb0: {  	[dreg:$0x3] =	wrdreg s8  }
0xb1: {  	[dreg:$0x4] =	wrdreg $0xC0  }
0xb2: {  	_ =	task [dreg:s10], $0x5FFFF  }
0xb3: {  	[dreg:$0x1] =	wrdreg $0xFFFFFFFF  }
0xb4: {  	[dreg:$0x0] =	wrdreg $0x60  }
0xb5: {  	[dreg:$0x2] =	wrdreg s24  }
0xb6: {  	[dreg:$0x3] =	wrdreg s17  }
0xb7: {  	[dreg:$0x4] =	wrdreg s16  }
0xb8: {  	[dreg:$0x5] =	wrdreg s18  }
0xb9: {  	[dreg:$0x6] =	wrdreg s5  }
0xba: {  	[dreg:$0x7] =	wrdreg $0x9  }
0xbb: {  	_ =	task.clear_ibuf [dreg:s10], $0x8FFFF;
	_ =	strace $0x90000046  }
0xbc: {  	s29 =	simm.s32 $0x9;
	_ =	strace $0x80000048  }
0xbd: {  	_ =	swait.ge [sflag:s29], $0x1  }
0xbe: {  	[sflag:s29] =	ssyncadd.s32 $0xFFFFFFFF  }
0xbf: {  	_ =	strace $0x90000048  }
0xc0: {  	_ =	sfence  }
0xc1: {  	s30 =	sld [smem:$0x0];
	_ =	sdelay $0x2  }
0xc2: {  	s31 =	sshll.u32 s1, $0xD;
	s1 =	sshrl.u32 s1, $0x2  }
0xc3: {  	s3 =	sand.u32 $0x4000, s31;
	s1 =	sadd.s32 s1, s30  }
0xc4: {  	s0 =	sor.u32 s3, s0;
	s1 =	sshll.u32 s1, $0x11  }
0xc5: {  	s0 =	sor.u32 s1, s0  }
0xc6: {  	s0 =	sadd.s32 $0x8F2B, s0  }
0xc7: {  	[sflag:s0] =	ssyncadd.remote.s32 $0x1  }
0xc8: {  	_ =	sfence.sel $0xFFFF  }
0xc9: {  	[dreg:$0x0] =	wrdreg $0xFFFFFFFF;
	(pc) =	sbr.abs _section_cstart, $3  }
0xca: {  	[dreg:$0x1] =	wrdreg $0xFFFFFFFF  }
0xcb: {  	_ =	task.clear_ibuf [dreg:s10], $0x2FFFF;
	_ =	strace $0x9FFFFFFF  }
0xcc: {  	(tm) =	ssettm $0x7FFFFFFF  }
0xcd: {  	_ =	shalt  }
tec
execute0_lowered:
.L_overlay_start_1:
0x0: {  	(tag) =	ssettag $0x1  }
0x1: {  	s12 =	rddreg [dreg:$0x0]  }
0x2: {  	s1 =	srdreg.scid;
	s0 =	stileid.u32  }
0x3: {  	s9 =	rddreg [dreg:$0x1];
	s16 =	sand.u32 $0x1, s1;
	s30 =	sshll.u32 s0, $0x1  }
0x4: {  	s14 =	rddreg [dreg:$0x2];
	s8 =	sor.u32 s16, s30  }
0x5: {  	s10 =	rddreg [dreg:$0x3];
	s11 =	smul.u32 $0x1900, s8  }
0x6: {  	s15 =	rddreg [dreg:$0x4];
	s2 =	simm.s32 $0x0  }
0x7: {  	s3 =	simm.s32 $0x2;
	[smem:$0x7FF] =	sst s2;
	s13 =	sshrl.u32 s11, $0x3  }
0x8: {  	s1 =	rddreg [dreg:$0x5];
	_ =	strace $0x80000047;
	s4 =	sadd.s32 s9, s13  }
0x9: {  	[tilespmem:s2], [sflag:$0x2] =	stream.linear.gather [hbm4b:s4+s2], $0xC80, $0x38;
	[tilespmem:$0x19C80] =	vst v63  }
0xa: {  	_ =	swait.ge [sflag:s3], $0xC80  }
0xb: {  	s6 =	simm.s32 $0xC80;
	[sflag:s3] =	ssyncset.done $0x0  }
0xc: {  	s7 =	simm.s32 $0x1;
	s5 =	sadd.s32 $0x1000, s12;
	[sflag:s3] =	ssyncadd.s32 $0xFFFFF380  }
0xd: {  	[tilespmem:s6], [sflag:$0x1] =	stream.indirect.gather [hbm4b:s5+s6], $0x20, s2, s6, $0xb8;
	[tilespmem:$0x19C80] =	vst v63  }
0xe: {  	s17 =	smul.u32 $0x6400, s8;
	_ =	swait.ge [sflag:s7], $0x19000  }
0xf: {  	[sflag:s7] =	ssyncset.done $0x0  }
0x10: {  	s8 =	sadd.s32 s10, s17;
	[sflag:s7] =	ssyncadd.s32 $0xFFFE7000  }
0x11: {  	[hbm4b:s8+s2] =	stream.linear.scatter [tilespmem:s6], [sflag:$0x2], $0x19000, $0x38;
	[tilespmem:$0x19C80] =	vst v63  }
0x12: {  	s11 =	sadd.s32 $0xC80, s11;
	_ =	swait.ge [sflag:s3], $0x19000  }
0x13: {  	s18 =	sshrl.u32 s11, $0x3;
	[sflag:s3] =	ssyncset.done $0x0  }
0x14: {  	s9 =	sadd.s32 s9, s18;
	[sflag:s3] =	ssyncadd.s32 $0xFFFE7000  }
0x15: {  	[tilespmem:s2], [sflag:$0x2] =	stream.linear.gather [hbm4b:s9+s2], $0xC80, $0x38;
	[tilespmem:$0x19C80] =	vst v63  }
0x16: {  	_ =	swait.ge [sflag:s3], $0xC80  }
0x17: {  	[sflag:s3] =	ssyncset.done $0x0  }
0x18: {  	[sflag:s3] =	ssyncadd.s32 $0xFFFFF380  }
0x19: {  	[tilespmem:s6], [sflag:$0x1] =	stream.indirect.gather [hbm4b:s5+s6], $0x20, s2, s6, $0xb8;
	[tilespmem:$0x19C80] =	vst v63  }
0x1a: {  	_ =	swait.ge [sflag:s7], $0x19000  }
0x1b: {  	s19 =	sshll.u32 s11, $0x2;
	[sflag:s7] =	ssyncset.done $0x0  }
0x1c: {  	s10 =	sadd.s32 s10, s19;
	[sflag:s7] =	ssyncadd.s32 $0xFFFE7000  }
0x1d: {  	[hbm4b:s10+s2] =	stream.linear.scatter [tilespmem:s6], [sflag:$0x2], $0x19000, $0x38;
	[tilespmem:$0x19C80] =	vst v63  }
0x1e: {  	_ =	swait.ge [sflag:s3], $0x19000  }
0x1f: {  	[sflag:s3] =	ssyncset.done $0x0  }
0x20: {  	s11 =	sadd.s32 s14, s13;
	[sflag:s3] =	ssyncadd.s32 $0xFFFE7000  }
0x21: {  	[tilespmem:s2], [sflag:$0x2] =	stream.linear.gather [hbm4b:s11+s2], $0xC80, $0x38;
	[tilespmem:$0x19C80] =	vst v63  }
0x22: {  	_ =	swait.ge [sflag:s3], $0xC80  }
0x23: {  	[sflag:s3] =	ssyncset.done $0x0  }
0x24: {  	s12 =	sadd.s32 $0xE00, s12;
	[sflag:s3] =	ssyncadd.s32 $0xFFFFF380  }
0x25: {  	[tilespmem:s6], [sflag:$0x1] =	stream.indirect.gather [hbm4b:s12+s6], $0x20, s2, s6, $0xb8;
	[tilespmem:$0x19C80] =	vst v63  }
0x26: {  	_ =	swait.ge [sflag:s7], $0x19000  }
0x27: {  	[sflag:s7] =	ssyncset.done $0x0  }
0x28: {  	s13 =	sadd.s32 s15, s17;
	[sflag:s7] =	ssyncadd.s32 $0xFFFE7000  }
0x29: {  	[hbm4b:s13+s2] =	stream.linear.scatter [tilespmem:s6], [sflag:$0x2], $0x19000, $0x38;
	[tilespmem:$0x19C80] =	vst v63  }
0x2a: {  	_ =	swait.ge [sflag:s3], $0x19000  }
0x2b: {  	[sflag:s3] =	ssyncset.done $0x0  }
0x2c: {  	s16 =	ssub.s32 $0x2, s16;
	s14 =	sadd.s32 s14, s18;
	[sflag:s3] =	ssyncadd.s32 $0xFFFE7000  }
0x2d: {  	[tilespmem:s2], [sflag:$0x2] =	stream.linear.gather [hbm4b:s14+s2], $0xC80, $0x38;
	[tilespmem:$0x19C80] =	vst v63  }
0x2e: {  	s31 =	sshrl.u32 s16, $0x1;
	_ =	swait.ge [sflag:s3], $0xC80  }
0x2f: {  	s16 =	ssub.s32 s16, s31;
	[sflag:s3] =	ssyncset.done $0x0  }
0x30: {  	s16 =	smax.u32 s16, $0x1;
	[sflag:s3] =	ssyncadd.s32 $0xFFFFF380  }
0x31: {  	[tilespmem:s6], [sflag:$0x1] =	stream.indirect.gather [hbm4b:s12+s6], $0x20, s2, s6, $0xb8;
	[tilespmem:$0x19C80] =	vst v63  }
0x32: {  	p0 =	sne.s32 s16, $0x1;
	_ =	swait.ge [sflag:s7], $0x19000  }
.Ltmp0:
0x33: {  	[sflag:s7] =	ssyncset.done $0x0;
	(pc) =	sbr.rel @!p0 .LBB2_2-.Ltmp0, $4  }
0x34: {  	s15 =	sadd.s32 s15, s19;
	[sflag:s7] =	ssyncadd.s32 $0xFFFE7000  }
0x35: {  	[hbm4b:s15+s2] =	stream.linear.scatter [tilespmem:s6], [sflag:$0x2], $0x19000, $0x38;
	[tilespmem:$0x19C80] =	vst v63  }
0x36: {  	_ =	swait.ge [sflag:s3], $0x19000  }
0x37: {  	s16 =	sadd.s32 $0xFFFFFFFF, s16;
	[sflag:s3] =	ssyncset.done $0x0  }
.LBB2_1:
0x38: {  	p0 =	sne.s32 s16, $0x1;
	s16 =	sadd.s32 $0xFFFFFFFF, s16;
	[sflag:s3] =	ssyncadd.s32 $0xFFFE7000  }
0x39: {  	[tilespmem:s2], [sflag:$0x2] =	stream.linear.gather [hbm4b:s4+s2], $0xC80, $0x38;
	[tilespmem:$0x19C80] =	vst v63  }
0x3a: {  	_ =	swait.ge [sflag:s3], $0xC80  }
0x3b: {  	[sflag:s3] =	ssyncset.done $0x0  }
0x3c: {  	[sflag:s3] =	ssyncadd.s32 $0xFFFFF380  }
0x3d: {  	[tilespmem:s6], [sflag:$0x1] =	stream.indirect.gather [hbm4b:s5+s6], $0x20, s2, s6, $0xb8;
	[tilespmem:$0x19C80] =	vst v63  }
0x3e: {  	_ =	swait.ge [sflag:s7], $0x19000  }
0x3f: {  	[sflag:s7] =	ssyncset.done $0x0  }
0x40: {  	[sflag:s7] =	ssyncadd.s32 $0xFFFE7000  }
0x41: {  	[hbm4b:s8+s2] =	stream.linear.scatter [tilespmem:s6], [sflag:$0x2], $0x19000, $0x38;
	[tilespmem:$0x19C80] =	vst v63  }
0x42: {  	_ =	swait.ge [sflag:s3], $0x19000  }
0x43: {  	[sflag:s3] =	ssyncset.done $0x0  }
0x44: {  	[sflag:s3] =	ssyncadd.s32 $0xFFFE7000  }
0x45: {  	[tilespmem:s2], [sflag:$0x2] =	stream.linear.gather [hbm4b:s9+s2], $0xC80, $0x38;
	[tilespmem:$0x19C80] =	vst v63  }
0x46: {  	_ =	swait.ge [sflag:s3], $0xC80  }
0x47: {  	[sflag:s3] =	ssyncset.done $0x0  }
0x48: {  	[sflag:s3] =	ssyncadd.s32 $0xFFFFF380  }
0x49: {  	[tilespmem:s6], [sflag:$0x1] =	stream.indirect.gather [hbm4b:s5+s6], $0x20, s2, s6, $0xb8;
	[tilespmem:$0x19C80] =	vst v63  }
0x4a: {  	_ =	swait.ge [sflag:s7], $0x19000  }
0x4b: {  	[sflag:s7] =	ssyncset.done $0x0  }
0x4c: {  	[sflag:s7] =	ssyncadd.s32 $0xFFFE7000  }
0x4d: {  	[hbm4b:s10+s2] =	stream.linear.scatter [tilespmem:s6], [sflag:$0x2], $0x19000, $0x38;
	[tilespmem:$0x19C80] =	vst v63  }
0x4e: {  	_ =	swait.ge [sflag:s3], $0x19000  }
0x4f: {  	[sflag:s3] =	ssyncset.done $0x0  }
0x50: {  	[sflag:s3] =	ssyncadd.s32 $0xFFFE7000  }
0x51: {  	[tilespmem:s2], [sflag:$0x2] =	stream.linear.gather [hbm4b:s11+s2], $0xC80, $0x38;
	[tilespmem:$0x19C80] =	vst v63  }
0x52: {  	_ =	swait.ge [sflag:s3], $0xC80  }
0x53: {  	[sflag:s3] =	ssyncset.done $0x0  }
0x54: {  	[sflag:s3] =	ssyncadd.s32 $0xFFFFF380  }
0x55: {  	[tilespmem:s6], [sflag:$0x1] =	stream.indirect.gather [hbm4b:s12+s6], $0x20, s2, s6, $0xb8;
	[tilespmem:$0x19C80] =	vst v63  }
0x56: {  	_ =	swait.ge [sflag:s7], $0x19000  }
0x57: {  	[sflag:s7] =	ssyncset.done $0x0  }
0x58: {  	[sflag:s7] =	ssyncadd.s32 $0xFFFE7000  }
0x59: {  	[hbm4b:s13+s2] =	stream.linear.scatter [tilespmem:s6], [sflag:$0x2], $0x19000, $0x38;
	[tilespmem:$0x19C80] =	vst v63  }
0x5a: {  	_ =	swait.ge [sflag:s3], $0x19000  }
0x5b: {  	[sflag:s3] =	ssyncset.done $0x0  }
0x5c: {  	[sflag:s3] =	ssyncadd.s32 $0xFFFE7000  }
0x5d: {  	[tilespmem:s2], [sflag:$0x2] =	stream.linear.gather [hbm4b:s14+s2], $0xC80, $0x38;
	[tilespmem:$0x19C80] =	vst v63  }
0x5e: {  	_ =	swait.ge [sflag:s3], $0xC80  }
0x5f: {  	[sflag:s3] =	ssyncset.done $0x0  }
0x60: {  	[sflag:s3] =	ssyncadd.s32 $0xFFFFF380  }
0x61: {  	[tilespmem:s6], [sflag:$0x1] =	stream.indirect.gather [hbm4b:s12+s6], $0x20, s2, s6, $0xb8;
	[tilespmem:$0x19C80] =	vst v63  }
0x62: {  	_ =	swait.ge [sflag:s7], $0x19000  }
.Ltmp1:
0x63: {  	[sflag:s7] =	ssyncset.done $0x0;
	(pc) =	sbr.rel @p0 .LBB2_1-.Ltmp1, $4  }
0x64: {  	[sflag:s7] =	ssyncadd.s32 $0xFFFE7000  }
0x65: {  	[hbm4b:s15+s2] =	stream.linear.scatter [tilespmem:s6], [sflag:$0x2], $0x19000, $0x38;
	[tilespmem:$0x19C80] =	vst v63  }
0x66: {  	_ =	swait.ge [sflag:s3], $0x19000  }
0x67: {  	[sflag:s3] =	ssyncset.done $0x0  }
.LBB2_2:
0x68: {  	[sflag:s3] =	ssyncadd.s32 $0xFFFE7000  }
0x69: {  	_ =	sfence.sel $0x180000  }
0x6a: {  	[bflag:$0x0] =	sbarrier.arrive $0xFFFF  }
0x6b: {  	p0 =	sne.s32 s0, $0x0;
	_ =	strace $0x90000047  }
0x6c: {  	s0 =	sadd.s32 @!p0 $0x100000, s1;
	[bflag:$0x2] =	sbarrier.arrive $0xFFFF  }
0x6d: {  	[sflag:s0] =	ssyncadd.tile.s32 @!p0 $0x1;
	_ =	shalt  }
.Lfunc_end2:
_tile_overlayer_lowered:
.L_overlay_start_2:
0x6e: {  	(tag) =	ssettag $0x2  }
0x6f: {  	s0 =	rddreg [dreg:$0x0];
	s2 =	stileid.u32  }
0x70: {  	s1 =	rddreg [dreg:$0x1];
	p0 =	sne.s32 s2, $0x0  }
0x71: {  	s3 =	rddreg [dreg:$0x2];
	[bflag:$0x3] =	sbarrier.arrive $0xFFFF;
	s2 =	simm.s32 @!p0 $0x1C02  }
0x72: {  	[timem:s3], [sflag:s2] =	dma.local @!p0 [hbm:s0], s1  }
0x73: {  	s0 =	simm.s32 @!p0 $0x2  }
0x74: {  	_ =	swait.ge @!p0 [sflag:s0], s1  }
0x75: {  	s1 =	ssub.s32 @!p0 $0x0, s1;
	[sflag:s0] =	ssyncset.done @!p0 $0x0  }
0x76: {  	[sflag:s0] =	ssyncadd.s32 @!p0 s1  }
0x77: {  	[bflag:$0x3] =	sbarrier.arrive $0xFFFF  }
0x78: {  	_ =	shalt  }

</sc_bundles>
